<compile_context>
chip_gen: v7x
topology: tpu7x:2x2x1
jax: 0.10.2.dev20260603
libtpu: 0.0.44.dev20260713+nightly
codegen_flags: <defaults>
</compile_context>

<pallas_src>
import functools

import jax
import jax.numpy as jnp
from jax import lax
from jax.experimental import pallas as pl
from jax.experimental.pallas import tpu as pltpu
from jax.experimental.pallas import tpu_sc as plsc

_B = 320000
_D = 128
_RPB = 128
_NB = _B // _RPB
_NC = 2
_NS = 16
_NW = _NC * _NS
_NBF = _NB // _NW
_REM = _NB - _NBF * _NW
_RING = 3
_GR = 256
_G = (_NBF * _RPB) // _GR
_TRIPS = _G // _RING
assert _G == _TRIPS * _RING

_mesh = plsc.VectorSubcoreMesh(core_axis_name="c", subcore_axis_name="s")


@functools.partial(
    pl.kernel,
    mesh=_mesh,
    out_type=jax.ShapeDtypeStruct((_B, _D), jnp.float32),
    scratch_types=[
        pltpu.VMEM(((_NBF + 1) * _RPB,), jnp.int32),
        pltpu.VMEM((_RING, _GR, _D), jnp.float32),
        pltpu.SemaphoreType.DMA,
        pltpu.SemaphoreType.DMA,
    ],
)
def _gather(x_hbm, src_hbm, out_hbm, idx_v, rows_v, gsem, wsem):
    wid = lax.axis_index("s") * _NC + lax.axis_index("c")
    b0 = _NBF * wid + jnp.minimum(wid, _REM)
    r0 = b0 * _RPB

    pltpu.sync_copy(src_hbm.at[0, pl.ds(r0, _NBF * _RPB)],
                    idx_v.at[pl.ds(0, _NBF * _RPB)])

    @pl.when(wid < _REM)
    def _():
        pltpu.sync_copy(src_hbm.at[0, pl.ds(r0 + _NBF * _RPB, _RPB)],
                        idx_v.at[pl.ds(_NBF * _RPB, _RPB)])

    def fire_gather(g, p):
        pltpu.make_async_copy(
            x_hbm.at[idx_v.at[pl.ds(g * _GR, _GR)]],
            rows_v.at[p], gsem).start()

    def drain_gather(p):
        pltpu.make_async_copy(x_hbm.at[pl.ds(0, _GR)],
                              rows_v.at[p], gsem).wait()

    def fire_store(g, p):
        pltpu.make_async_copy(
            rows_v.at[p], out_hbm.at[pl.ds(r0 + g * _GR, _GR)],
            wsem).start()

    def drain_store(p):
        pltpu.make_async_copy(
            rows_v.at[p], out_hbm.at[pl.ds(0, _GR)], wsem).wait()

    for p in range(_RING - 1):
        fire_gather(p, p)

    def ring(i, carry):
        gbase = _RING * i
        for j in range(_RING):
            p = j
            pm1 = (j - 1) % _RING
            drain_gather(p)
            if j == 0:
                @pl.when(i > 0)
                def _():
                    drain_store(pm1)
            else:
                drain_store(pm1)
            if j == 0:
                fire_gather(gbase + _RING - 1, pm1)
            else:
                @pl.when(i < _TRIPS - 1)
                def _(j=j, pm1=pm1):
                    fire_gather(gbase + _RING - 1 + j, pm1)
            fire_store(gbase + j, p)
        return carry

    lax.fori_loop(0, _TRIPS, ring, 0)
    drain_store((_G - 1) % _RING)

    @pl.when(wid < _REM)
    def _():
        pltpu.async_copy(
            x_hbm.at[idx_v.at[pl.ds(_NBF * _RPB, _RPB)]],
            rows_v.at[0, pl.ds(0, _RPB)], gsem).wait()
        pltpu.sync_copy(rows_v.at[0, pl.ds(0, _RPB)],
                        out_hbm.at[pl.ds(r0 + _NBF * _RPB, _RPB)])


def kernel(x, edge_index):
    messages = _gather(x, edge_index.astype(jnp.int32))
    return (x, edge_index, messages)

# --- scband reference (transcript-rebuilt; emitter-appended) ---
"""Pipeline reference for scband-message-generation-5188320494341 (READ-ONLY COPY).

The authoritative reference and input builder live on the scoring server;
editing this copy changes nothing except your own understanding.
"""

import jax, jax.numpy as jnp
import numpy as np


def setup_inputs(seed: int = 0) -> dict:
    key = jax.random.key(seed)
    k1, k2 = jax.random.split(key)
    x = jax.random.normal(k1, (10000, 128), dtype=jnp.float32)
    edge_index = jax.random.randint(k2, (2, 320000), 0, 10000, dtype=jnp.int64)
    return {"x": x, "edge_index": edge_index}


def reference(x, edge_index):
    # MessageGeneration.forward: gather source-node features along edges
    source_nodes = edge_index[0]
    x_j = jnp.take(x, source_nodes, axis=0)  # gather -> SparseCore friendly
    messages = x_j  # identity message function
    return (x, edge_index, messages)

if __name__ == "__main__":
    import jax
    _d = setup_inputs()
    print(jax.jit(kernel)(*tuple(_d.values())))

</pallas_src>

<mosaic_0001>
#map = affine_map<(d0, d1) -> (0, 0)>
module attributes {stable_mosaic.version = 14 : i64} {
  func.func @_gather(%arg0: i32, %arg1: i32, %arg2: memref<10000x128xf32, #tpu.memory_space<hbm>>, %arg3: memref<2x320000xi32, #tpu.memory_space<hbm>>, %arg4: memref<320000x128xf32, #tpu.memory_space<hbm>>, %arg5: memref<10112xi32, #tpu.memory_space<vmem>>, %arg6: memref<3x256x128xf32, #tpu.memory_space<vmem>>, %arg7: memref<!tpu.dma_semaphore, #tpu.memory_space<semaphore_mem>>, %arg8: memref<!tpu.dma_semaphore, #tpu.memory_space<semaphore_mem>>) attributes {dimension_semantics = [#tpu.dimension_semantics<core_parallel>, #tpu.dimension_semantics<subcore_parallel>], iteration_bounds = array<i64: 2, 16>, scalar_prefetch = 0 : i64, scratch_operands = 4 : i64, tpu.core_type = #tpu.core_type<sc_vector_subcore>, window_params = [{transform_indices = #map}, {transform_indices = #map}, {transform_indices = #map}]} {
    %mul3A = arith.constant 2 : i32
    %mul3A_0 = arith.muli %arg1, %mul3A : i32
    %add3A = arith.addi %mul3A_0, %arg0 : i32
    %mul3A_1 = arith.constant 78 : i32
    %mul3A_2 = arith.muli %mul3A_1, %add3A : i32
    %min3A = arith.constant 4 : i32
    %min3A_3 = arith.minsi %add3A, %min3A : i32
    %add3A_4 = arith.addi %mul3A_2, %min3A_3 : i32
    %mul3A_5 = arith.constant 128 : i32
    %mul3A_6 = arith.muli %add3A_4, %mul3A_5 : i32
    %run_scoped3A = arith.constant 0 : i32
    "tpu.region"() ({
      %run_scoped3A_52 = tpu.sem_alloc : memref<!tpu.dma_semaphore, #tpu.memory_space<semaphore_mem>>
      %dma_start3A_53 = arith.constant 0 : i32
      %dma_start3A_54 = tpu.memref_slice %arg5[%dma_start3A_53] : memref<10112xi32, #tpu.memory_space<vmem>> -> memref<9984xi32, #tpu.memory_space<vmem>>
      %dma_start3A_55 = tpu.memref_slice %arg3[%run_scoped3A, %mul3A_6] : memref<2x320000xi32, #tpu.memory_space<hbm>> -> memref<1x9984xi32, #tpu.memory_space<hbm>>
      %dma_start3A_56 = tpu.memref_squeeze %dma_start3A_55 : memref<1x9984xi32, #tpu.memory_space<hbm>> -> memref<9984xi32, #tpu.memory_space<hbm>>
      %dma_start3A_57 = arith.constant 0 : i32
      %dma_start3A_58 = tpu.memref_slice %arg5[%dma_start3A_57] : memref<10112xi32, #tpu.memory_space<vmem>> -> memref<9984xi32, #tpu.memory_space<vmem>>
      %dma_start3A_59 = tpu.memref_slice %arg3[%run_scoped3A, %mul3A_6] : memref<2x320000xi32, #tpu.memory_space<hbm>> -> memref<1x9984xi32, #tpu.memory_space<hbm>>
      %dma_start3A_60 = tpu.memref_squeeze %dma_start3A_59 : memref<1x9984xi32, #tpu.memory_space<hbm>> -> memref<9984xi32, #tpu.memory_space<hbm>>
      tpu.enqueue_dma source(%dma_start3A_60 : memref<9984xi32, #tpu.memory_space<hbm>>) target(%dma_start3A_58 : memref<9984xi32, #tpu.memory_space<vmem>>) target_semaphore(%run_scoped3A_52 : memref<!tpu.dma_semaphore, #tpu.memory_space<semaphore_mem>>)
      %dma_wait3A_61 = arith.constant 0 : i32
      %dma_wait3A_62 = tpu.memref_slice %arg5[%dma_wait3A_61] : memref<10112xi32, #tpu.memory_space<vmem>> -> memref<9984xi32, #tpu.memory_space<vmem>>
      %dma_wait3A_63 = tpu.memref_slice %arg3[%run_scoped3A, %mul3A_6] : memref<2x320000xi32, #tpu.memory_space<hbm>> -> memref<1x9984xi32, #tpu.memory_space<hbm>>
      %dma_wait3A_64 = tpu.memref_squeeze %dma_wait3A_63 : memref<1x9984xi32, #tpu.memory_space<hbm>> -> memref<9984xi32, #tpu.memory_space<hbm>>
      %dma_wait3A_65 = arith.constant 0 : i32
      %dma_wait3A_66 = tpu.memref_slice %arg5[%dma_wait3A_65] : memref<10112xi32, #tpu.memory_space<vmem>> -> memref<9984xi32, #tpu.memory_space<vmem>>
      %dma_wait3A_67 = tpu.memref_slice %arg3[%run_scoped3A, %mul3A_6] : memref<2x320000xi32, #tpu.memory_space<hbm>> -> memref<1x9984xi32, #tpu.memory_space<hbm>>
      %dma_wait3A_68 = tpu.memref_squeeze %dma_wait3A_67 : memref<1x9984xi32, #tpu.memory_space<hbm>> -> memref<9984xi32, #tpu.memory_space<hbm>>
      tpu.wait_dma2 semaphore(%run_scoped3A_52 : memref<!tpu.dma_semaphore, #tpu.memory_space<semaphore_mem>>) src(%dma_wait3A_68 : memref<9984xi32, #tpu.memory_space<hbm>>) dst(%dma_wait3A_66 : memref<9984xi32, #tpu.memory_space<vmem>>)
      tpu.yield
    }) : () -> ()
    %lt3A = arith.constant 4 : i32
    %lt3A_7 = arith.cmpi slt, %add3A, %lt3A : i32
    %convert_element_type3A = arith.extui %lt3A_7 : i1 to i32
    %cond3A = arith.constant 0 : i32
    %cond3A_8 = arith.cmpi ne, %convert_element_type3A, %cond3A : i32
    scf.if %cond3A_8 {
      %add3A_52 = arith.constant 9984 : i32
      %add3A_53 = arith.addi %mul3A_6, %add3A_52 : i32
      %run_scoped3A_54 = arith.constant 0 : i32
      "tpu.region"() ({
        %run_scoped3A_55 = tpu.sem_alloc : memref<!tpu.dma_semaphore, #tpu.memory_space<semaphore_mem>>
        %dma_start3A_56 = arith.constant 9984 : i32
        %dma_start3A_57 = tpu.memref_slice %arg5[%dma_start3A_56] : memref<10112xi32, #tpu.memory_space<vmem>> -> memref<128xi32, #tpu.memory_space<vmem>>
        %dma_start3A_58 = tpu.memref_slice %arg3[%run_scoped3A_54, %add3A_53] : memref<2x320000xi32, #tpu.memory_space<hbm>> -> memref<1x128xi32, #tpu.memory_space<hbm>>
        %dma_start3A_59 = tpu.memref_squeeze %dma_start3A_58 : memref<1x128xi32, #tpu.memory_space<hbm>> -> memref<128xi32, #tpu.memory_space<hbm>>
        %dma_start3A_60 = arith.constant 9984 : i32
        %dma_start3A_61 = tpu.memref_slice %arg5[%dma_start3A_60] : memref<10112xi32, #tpu.memory_space<vmem>> -> memref<128xi32, #tpu.memory_space<vmem>>
        %dma_start3A_62 = tpu.memref_slice %arg3[%run_scoped3A_54, %add3A_53] : memref<2x320000xi32, #tpu.memory_space<hbm>> -> memref<1x128xi32, #tpu.memory_space<hbm>>
        %dma_start3A_63 = tpu.memref_squeeze %dma_start3A_62 : memref<1x128xi32, #tpu.memory_space<hbm>> -> memref<128xi32, #tpu.memory_space<hbm>>
        tpu.enqueue_dma source(%dma_start3A_63 : memref<128xi32, #tpu.memory_space<hbm>>) target(%dma_start3A_61 : memref<128xi32, #tpu.memory_space<vmem>>) target_semaphore(%run_scoped3A_55 : memref<!tpu.dma_semaphore, #tpu.memory_space<semaphore_mem>>)
        %dma_wait3A_64 = arith.constant 9984 : i32
        %dma_wait3A_65 = tpu.memref_slice %arg5[%dma_wait3A_64] : memref<10112xi32, #tpu.memory_space<vmem>> -> memref<128xi32, #tpu.memory_space<vmem>>
        %dma_wait3A_66 = tpu.memref_slice %arg3[%run_scoped3A_54, %add3A_53] : memref<2x320000xi32, #tpu.memory_space<hbm>> -> memref<1x128xi32, #tpu.memory_space<hbm>>
        %dma_wait3A_67 = tpu.memref_squeeze %dma_wait3A_66 : memref<1x128xi32, #tpu.memory_space<hbm>> -> memref<128xi32, #tpu.memory_space<hbm>>
        %dma_wait3A_68 = arith.constant 9984 : i32
        %dma_wait3A_69 = tpu.memref_slice %arg5[%dma_wait3A_68] : memref<10112xi32, #tpu.memory_space<vmem>> -> memref<128xi32, #tpu.memory_space<vmem>>
        %dma_wait3A_70 = tpu.memref_slice %arg3[%run_scoped3A_54, %add3A_53] : memref<2x320000xi32, #tpu.memory_space<hbm>> -> memref<1x128xi32, #tpu.memory_space<hbm>>
        %dma_wait3A_71 = tpu.memref_squeeze %dma_wait3A_70 : memref<1x128xi32, #tpu.memory_space<hbm>> -> memref<128xi32, #tpu.memory_space<hbm>>
        tpu.wait_dma2 semaphore(%run_scoped3A_55 : memref<!tpu.dma_semaphore, #tpu.memory_space<semaphore_mem>>) src(%dma_wait3A_71 : memref<128xi32, #tpu.memory_space<hbm>>) dst(%dma_wait3A_69 : memref<128xi32, #tpu.memory_space<vmem>>)
        tpu.yield
      }) : () -> ()
    } else {
    }
    %dma_start3A = arith.constant 0 : i32
    %dma_start3A_9 = arith.constant 0 : i32
    %dma_start3A_10 = arith.constant 0 : i32
    %dma_start3A_11 = tpu.memref_slice %arg6[%dma_start3A, %dma_start3A_9, %dma_start3A_10] : memref<3x256x128xf32, #tpu.memory_space<vmem>> -> memref<1x256x128xf32, #tpu.memory_space<vmem>>
    %dma_start3A_12 = tpu.memref_squeeze %dma_start3A_11 : memref<1x256x128xf32, #tpu.memory_space<vmem>> -> memref<256x128xf32, #tpu.memory_space<vmem>>
    %dma_start3A_13 = arith.constant 0 : i32
    %dma_start3A_14 = tpu.memref_slice %arg5[%dma_start3A_13] : memref<10112xi32, #tpu.memory_space<vmem>> -> memref<256xi32, #tpu.memory_space<vmem>>
    %dma_start3A_15 = arith.constant 0 : i32
    %dma_start3A_16 = arith.constant 0 : i32
    %dma_start3A_17 = tpu.memref_slice %arg2[%dma_start3A_15, %dma_start3A_16] : memref<10000x128xf32, #tpu.memory_space<hbm>> -> memref<10000x128xf32, #tpu.memory_space<hbm>>
    tpu.enqueue_indirect_dma source(%dma_start3A_17 : memref<10000x128xf32, #tpu.memory_space<hbm>>) target(%dma_start3A_12 : memref<256x128xf32, #tpu.memory_space<vmem>>) offsets(%dma_start3A_14 : memref<256xi32, #tpu.memory_space<vmem>>) semaphore(%arg7 : memref<!tpu.dma_semaphore, #tpu.memory_space<semaphore_mem>>)
    %dma_start3A_18 = arith.constant 1 : i32
    %dma_start3A_19 = arith.constant 0 : i32
    %dma_start3A_20 = arith.constant 0 : i32
    %dma_start3A_21 = tpu.memref_slice %arg6[%dma_start3A_18, %dma_start3A_19, %dma_start3A_20] : memref<3x256x128xf32, #tpu.memory_space<vmem>> -> memref<1x256x128xf32, #tpu.memory_space<vmem>>
    %dma_start3A_22 = tpu.memref_squeeze %dma_start3A_21 : memref<1x256x128xf32, #tpu.memory_space<vmem>> -> memref<256x128xf32, #tpu.memory_space<vmem>>
    %dma_start3A_23 = arith.constant 256 : i32
    %dma_start3A_24 = tpu.memref_slice %arg5[%dma_start3A_23] : memref<10112xi32, #tpu.memory_space<vmem>> -> memref<256xi32, #tpu.memory_space<vmem>>
    %dma_start3A_25 = arith.constant 0 : i32
    %dma_start3A_26 = arith.constant 0 : i32
    %dma_start3A_27 = tpu.memref_slice %arg2[%dma_start3A_25, %dma_start3A_26] : memref<10000x128xf32, #tpu.memory_space<hbm>> -> memref<10000x128xf32, #tpu.memory_space<hbm>>
    tpu.enqueue_indirect_dma source(%dma_start3A_27 : memref<10000x128xf32, #tpu.memory_space<hbm>>) target(%dma_start3A_22 : memref<256x128xf32, #tpu.memory_space<vmem>>) offsets(%dma_start3A_24 : memref<256xi32, #tpu.memory_space<vmem>>) semaphore(%arg7 : memref<!tpu.dma_semaphore, #tpu.memory_space<semaphore_mem>>)
    %scan3A = arith.constant 0 : i32
    %scan3A_28 = arith.constant 0 : i32
    %scan3A_29 = arith.constant 13 : i32
    %scan3A_30 = arith.addi %scan3A_28, %scan3A_29 : i32
    %scan3A_31 = arith.constant 1 : i32
    scf.for %scan3A_52 = %scan3A_28 to %scan3A_30 step %scan3A_31  : i32 {
      %mul3A_53 = arith.constant 3 : i32
      %mul3A_54 = arith.muli %mul3A_53, %scan3A_52 : i32
      %dma_wait3A_55 = arith.constant 0 : i32
      %dma_wait3A_56 = arith.constant 0 : i32
      %dma_wait3A_57 = arith.constant 0 : i32
      %dma_wait3A_58 = tpu.memref_slice %arg6[%dma_wait3A_55, %dma_wait3A_56, %dma_wait3A_57] : memref<3x256x128xf32, #tpu.memory_space<vmem>> -> memref<1x256x128xf32, #tpu.memory_space<vmem>>
      %dma_wait3A_59 = tpu.memref_squeeze %dma_wait3A_58 : memref<1x256x128xf32, #tpu.memory_space<vmem>> -> memref<256x128xf32, #tpu.memory_space<vmem>>
      %dma_wait3A_60 = arith.constant 0 : i32
      %dma_wait3A_61 = arith.constant 0 : i32
      %dma_wait3A_62 = tpu.memref_slice %arg2[%dma_wait3A_60, %dma_wait3A_61] : memref<10000x128xf32, #tpu.memory_space<hbm>> -> memref<256x128xf32, #tpu.memory_space<hbm>>
      %dma_wait3A_63 = arith.constant 0 : i32
      %dma_wait3A_64 = arith.constant 0 : i32
      %dma_wait3A_65 = tpu.memref_slice %arg6[%dma_wait3A_55, %dma_wait3A_63, %dma_wait3A_64] : memref<3x256x128xf32, #tpu.memory_space<vmem>> -> memref<1x256x128xf32, #tpu.memory_space<vmem>>
      %dma_wait3A_66 = tpu.memref_squeeze %dma_wait3A_65 : memref<1x256x128xf32, #tpu.memory_space<vmem>> -> memref<256x128xf32, #tpu.memory_space<vmem>>
      %dma_wait3A_67 = arith.constant 0 : i32
      %dma_wait3A_68 = arith.constant 0 : i32
      %dma_wait3A_69 = tpu.memref_slice %arg2[%dma_wait3A_67, %dma_wait3A_68] : memref<10000x128xf32, #tpu.memory_space<hbm>> -> memref<256x128xf32, #tpu.memory_space<hbm>>
      tpu.wait_dma2 semaphore(%arg7 : memref<!tpu.dma_semaphore, #tpu.memory_space<semaphore_mem>>) src(%dma_wait3A_69 : memref<256x128xf32, #tpu.memory_space<hbm>>) dst(%dma_wait3A_66 : memref<256x128xf32, #tpu.memory_space<vmem>>)
      %gt3A = arith.constant 0 : i32
      %gt3A_70 = arith.cmpi sgt, %scan3A_52, %gt3A : i32
      %convert_element_type3A_71 = arith.extui %gt3A_70 : i1 to i32
      %cond3A_72 = arith.constant 0 : i32
      %cond3A_73 = arith.cmpi ne, %convert_element_type3A_71, %cond3A_72 : i32
      scf.if %cond3A_73 {
        %dma_wait3A_212 = arith.constant 2 : i32
        %dma_wait3A_213 = arith.constant 0 : i32
        %dma_wait3A_214 = arith.constant 0 : i32
        %dma_wait3A_215 = tpu.memref_slice %arg6[%dma_wait3A_212, %dma_wait3A_213, %dma_wait3A_214] : memref<3x256x128xf32, #tpu.memory_space<vmem>> -> memref<1x256x128xf32, #tpu.memory_space<vmem>>
        %dma_wait3A_216 = tpu.memref_squeeze %dma_wait3A_215 : memref<1x256x128xf32, #tpu.memory_space<vmem>> -> memref<256x128xf32, #tpu.memory_space<vmem>>
        %dma_wait3A_217 = arith.constant 0 : i32
        %dma_wait3A_218 = arith.constant 0 : i32
        %dma_wait3A_219 = tpu.memref_slice %arg4[%dma_wait3A_217, %dma_wait3A_218] : memref<320000x128xf32, #tpu.memory_space<hbm>> -> memref<256x128xf32, #tpu.memory_space<hbm>>
        %dma_wait3A_220 = arith.constant 0 : i32
        %dma_wait3A_221 = arith.constant 0 : i32
        %dma_wait3A_222 = tpu.memref_slice %arg4[%dma_wait3A_220, %dma_wait3A_221] : memref<320000x128xf32, #tpu.memory_space<hbm>> -> memref<256x128xf32, #tpu.memory_space<hbm>>
        %dma_wait3A_223 = arith.constant 0 : i32
        %dma_wait3A_224 = arith.constant 0 : i32
        %dma_wait3A_225 = tpu.memref_slice %arg6[%dma_wait3A_212, %dma_wait3A_223, %dma_wait3A_224] : memref<3x256x128xf32, #tpu.memory_space<vmem>> -> memref<1x256x128xf32, #tpu.memory_space<vmem>>
        %dma_wait3A_226 = tpu.memref_squeeze %dma_wait3A_225 : memref<1x256x128xf32, #tpu.memory_space<vmem>> -> memref<256x128xf32, #tpu.memory_space<vmem>>
        tpu.wait_dma2 semaphore(%arg8 : memref<!tpu.dma_semaphore, #tpu.memory_space<semaphore_mem>>) src(%dma_wait3A_226 : memref<256x128xf32, #tpu.memory_space<vmem>>) dst(%dma_wait3A_222 : memref<256x128xf32, #tpu.memory_space<hbm>>)
      } else {
      }
      %add3A_74 = arith.constant 3 : i32
      %add3A_75 = arith.addi %mul3A_54, %add3A_74 : i32
      %sub3A = arith.constant 1 : i32
      %sub3A_76 = arith.subi %add3A_75, %sub3A : i32
      %mul3A_77 = arith.constant 256 : i32
      %mul3A_78 = arith.muli %sub3A_76, %mul3A_77 : i32
      %dma_start3A_79 = arith.constant 2 : i32
      %dma_start3A_80 = arith.constant 0 : i32
      %dma_start3A_81 = arith.constant 0 : i32
      %dma_start3A_82 = tpu.memref_slice %arg6[%dma_start3A_79, %dma_start3A_80, %dma_start3A_81] : memref<3x256x128xf32, #tpu.memory_space<vmem>> -> memref<1x256x128xf32, #tpu.memory_space<vmem>>
      %dma_start3A_83 = tpu.memref_squeeze %dma_start3A_82 : memref<1x256x128xf32, #tpu.memory_space<vmem>> -> memref<256x128xf32, #tpu.memory_space<vmem>>
      %dma_start3A_84 = tpu.memref_slice %arg5[%mul3A_78] : memref<10112xi32, #tpu.memory_space<vmem>> -> memref<256xi32, #tpu.memory_space<vmem>>
      %dma_start3A_85 = arith.constant 0 : i32
      %dma_start3A_86 = arith.constant 0 : i32
      %dma_start3A_87 = tpu.memref_slice %arg2[%dma_start3A_85, %dma_start3A_86] : memref<10000x128xf32, #tpu.memory_space<hbm>> -> memref<10000x128xf32, #tpu.memory_space<hbm>>
      tpu.enqueue_indirect_dma source(%dma_start3A_87 : memref<10000x128xf32, #tpu.memory_space<hbm>>) target(%dma_start3A_83 : memref<256x128xf32, #tpu.memory_space<vmem>>) offsets(%dma_start3A_84 : memref<256xi32, #tpu.memory_space<vmem>>) semaphore(%arg7 : memref<!tpu.dma_semaphore, #tpu.memory_space<semaphore_mem>>)
      %add3A_88 = arith.constant 0 : i32
      %add3A_89 = arith.addi %mul3A_54, %add3A_88 : i32
      %mul3A_90 = arith.constant 256 : i32
      %mul3A_91 = arith.muli %add3A_89, %mul3A_90 : i32
      %add3A_92 = arith.addi %mul3A_6, %mul3A_91 : i32
      %dma_start3A_93 = arith.constant 0 : i32
      %dma_start3A_94 = arith.constant 0 : i32
      %dma_start3A_95 = arith.constant 0 : i32
      %dma_start3A_96 = tpu.memref_slice %arg6[%dma_start3A_93, %dma_start3A_94, %dma_start3A_95] : memref<3x256x128xf32, #tpu.memory_space<vmem>> -> memref<1x256x128xf32, #tpu.memory_space<vmem>>
      %dma_start3A_97 = tpu.memref_squeeze %dma_start3A_96 : memref<1x256x128xf32, #tpu.memory_space<vmem>> -> memref<256x128xf32, #tpu.memory_space<vmem>>
      %dma_start3A_98 = arith.constant 0 : i32
      %dma_start3A_99 = tpu.memref_slice %arg4[%add3A_92, %dma_start3A_98] : memref<320000x128xf32, #tpu.memory_space<hbm>> -> memref<256x128xf32, #tpu.memory_space<hbm>>
      %dma_start3A_100 = arith.constant 0 : i32
      %dma_start3A_101 = tpu.memref_slice %arg4[%add3A_92, %dma_start3A_100] : memref<320000x128xf32, #tpu.memory_space<hbm>> -> memref<256x128xf32, #tpu.memory_space<hbm>>
      %dma_start3A_102 = arith.constant 0 : i32
      %dma_start3A_103 = arith.constant 0 : i32
      %dma_start3A_104 = tpu.memref_slice %arg6[%dma_start3A_93, %dma_start3A_102, %dma_start3A_103] : memref<3x256x128xf32, #tpu.memory_space<vmem>> -> memref<1x256x128xf32, #tpu.memory_space<vmem>>
      %dma_start3A_105 = tpu.memref_squeeze %dma_start3A_104 : memref<1x256x128xf32, #tpu.memory_space<vmem>> -> memref<256x128xf32, #tpu.memory_space<vmem>>
      tpu.enqueue_dma source(%dma_start3A_105 : memref<256x128xf32, #tpu.memory_space<vmem>>) target(%dma_start3A_101 : memref<256x128xf32, #tpu.memory_space<hbm>>) target_semaphore(%arg8 : memref<!tpu.dma_semaphore, #tpu.memory_space<semaphore_mem>>)
      %dma_wait3A_106 = arith.constant 1 : i32
      %dma_wait3A_107 = arith.constant 0 : i32
      %dma_wait3A_108 = arith.constant 0 : i32
      %dma_wait3A_109 = tpu.memref_slice %arg6[%dma_wait3A_106, %dma_wait3A_107, %dma_wait3A_108] : memref<3x256x128xf32, #tpu.memory_space<vmem>> -> memref<1x256x128xf32, #tpu.memory_space<vmem>>
      %dma_wait3A_110 = tpu.memref_squeeze %dma_wait3A_109 : memref<1x256x128xf32, #tpu.memory_space<vmem>> -> memref<256x128xf32, #tpu.memory_space<vmem>>
      %dma_wait3A_111 = arith.constant 0 : i32
      %dma_wait3A_112 = arith.constant 0 : i32
      %dma_wait3A_113 = tpu.memref_slice %arg2[%dma_wait3A_111, %dma_wait3A_112] : memref<10000x128xf32, #tpu.memory_space<hbm>> -> memref<256x128xf32, #tpu.memory_space<hbm>>
      %dma_wait3A_114 = arith.constant 0 : i32
      %dma_wait3A_115 = arith.constant 0 : i32
      %dma_wait3A_116 = tpu.memref_slice %arg6[%dma_wait3A_106, %dma_wait3A_114, %dma_wait3A_115] : memref<3x256x128xf32, #tpu.memory_space<vmem>> -> memref<1x256x128xf32, #tpu.memory_space<vmem>>
      %dma_wait3A_117 = tpu.memref_squeeze %dma_wait3A_116 : memref<1x256x128xf32, #tpu.memory_space<vmem>> -> memref<256x128xf32, #tpu.memory_space<vmem>>
      %dma_wait3A_118 = arith.constant 0 : i32
      %dma_wait3A_119 = arith.constant 0 : i32
      %dma_wait3A_120 = tpu.memref_slice %arg2[%dma_wait3A_118, %dma_wait3A_119] : memref<10000x128xf32, #tpu.memory_space<hbm>> -> memref<256x128xf32, #tpu.memory_space<hbm>>
      tpu.wait_dma2 semaphore(%arg7 : memref<!tpu.dma_semaphore, #tpu.memory_space<semaphore_mem>>) src(%dma_wait3A_120 : memref<256x128xf32, #tpu.memory_space<hbm>>) dst(%dma_wait3A_117 : memref<256x128xf32, #tpu.memory_space<vmem>>)
      %dma_wait3A_121 = arith.constant 0 : i32
      %dma_wait3A_122 = arith.constant 0 : i32
      %dma_wait3A_123 = arith.constant 0 : i32
      %dma_wait3A_124 = tpu.memref_slice %arg6[%dma_wait3A_121, %dma_wait3A_122, %dma_wait3A_123] : memref<3x256x128xf32, #tpu.memory_space<vmem>> -> memref<1x256x128xf32, #tpu.memory_space<vmem>>
      %dma_wait3A_125 = tpu.memref_squeeze %dma_wait3A_124 : memref<1x256x128xf32, #tpu.memory_space<vmem>> -> memref<256x128xf32, #tpu.memory_space<vmem>>
      %dma_wait3A_126 = arith.constant 0 : i32
      %dma_wait3A_127 = arith.constant 0 : i32
      %dma_wait3A_128 = tpu.memref_slice %arg4[%dma_wait3A_126, %dma_wait3A_127] : memref<320000x128xf32, #tpu.memory_space<hbm>> -> memref<256x128xf32, #tpu.memory_space<hbm>>
      %dma_wait3A_129 = arith.constant 0 : i32
      %dma_wait3A_130 = arith.constant 0 : i32
      %dma_wait3A_131 = tpu.memref_slice %arg4[%dma_wait3A_129, %dma_wait3A_130] : memref<320000x128xf32, #tpu.memory_space<hbm>> -> memref<256x128xf32, #tpu.memory_space<hbm>>
      %dma_wait3A_132 = arith.constant 0 : i32
      %dma_wait3A_133 = arith.constant 0 : i32
      %dma_wait3A_134 = tpu.memref_slice %arg6[%dma_wait3A_121, %dma_wait3A_132, %dma_wait3A_133] : memref<3x256x128xf32, #tpu.memory_space<vmem>> -> memref<1x256x128xf32, #tpu.memory_space<vmem>>
      %dma_wait3A_135 = tpu.memref_squeeze %dma_wait3A_134 : memref<1x256x128xf32, #tpu.memory_space<vmem>> -> memref<256x128xf32, #tpu.memory_space<vmem>>
      tpu.wait_dma2 semaphore(%arg8 : memref<!tpu.dma_semaphore, #tpu.memory_space<semaphore_mem>>) src(%dma_wait3A_135 : memref<256x128xf32, #tpu.memory_space<vmem>>) dst(%dma_wait3A_131 : memref<256x128xf32, #tpu.memory_space<hbm>>)
      %lt3A_136 = arith.constant 12 : i32
      %lt3A_137 = arith.cmpi slt, %scan3A_52, %lt3A_136 : i32
      %convert_element_type3A_138 = arith.extui %lt3A_137 : i1 to i32
      %cond3A_139 = arith.constant 0 : i32
      %cond3A_140 = arith.cmpi ne, %convert_element_type3A_138, %cond3A_139 : i32
      scf.if %cond3A_140 {
        %add3A_212 = arith.constant 3 : i32
        %add3A_213 = arith.addi %mul3A_54, %add3A_212 : i32
        %sub3A_214 = arith.constant 1 : i32
        %sub3A_215 = arith.subi %add3A_213, %sub3A_214 : i32
        %add3A_216 = arith.constant 1 : i32
        %add3A_217 = arith.addi %sub3A_215, %add3A_216 : i32
        %mul3A_218 = arith.constant 256 : i32
        %mul3A_219 = arith.muli %add3A_217, %mul3A_218 : i32
        %dma_start3A_220 = arith.constant 0 : i32
        %dma_start3A_221 = arith.constant 0 : i32
        %dma_start3A_222 = arith.constant 0 : i32
        %dma_start3A_223 = tpu.memref_slice %arg6[%dma_start3A_220, %dma_start3A_221, %dma_start3A_222] : memref<3x256x128xf32, #tpu.memory_space<vmem>> -> memref<1x256x128xf32, #tpu.memory_space<vmem>>
        %dma_start3A_224 = tpu.memref_squeeze %dma_start3A_223 : memref<1x256x128xf32, #tpu.memory_space<vmem>> -> memref<256x128xf32, #tpu.memory_space<vmem>>
        %dma_start3A_225 = tpu.memref_slice %arg5[%mul3A_219] : memref<10112xi32, #tpu.memory_space<vmem>> -> memref<256xi32, #tpu.memory_space<vmem>>
        %dma_start3A_226 = arith.constant 0 : i32
        %dma_start3A_227 = arith.constant 0 : i32
        %dma_start3A_228 = tpu.memref_slice %arg2[%dma_start3A_226, %dma_start3A_227] : memref<10000x128xf32, #tpu.memory_space<hbm>> -> memref<10000x128xf32, #tpu.memory_space<hbm>>
        tpu.enqueue_indirect_dma source(%dma_start3A_228 : memref<10000x128xf32, #tpu.memory_space<hbm>>) target(%dma_start3A_224 : memref<256x128xf32, #tpu.memory_space<vmem>>) offsets(%dma_start3A_225 : memref<256xi32, #tpu.memory_space<vmem>>) semaphore(%arg7 : memref<!tpu.dma_semaphore, #tpu.memory_space<semaphore_mem>>)
      } else {
      }
      %add3A_141 = arith.constant 1 : i32
      %add3A_142 = arith.addi %mul3A_54, %add3A_141 : i32
      %mul3A_143 = arith.constant 256 : i32
      %mul3A_144 = arith.muli %add3A_142, %mul3A_143 : i32
      %add3A_145 = arith.addi %mul3A_6, %mul3A_144 : i32
      %dma_start3A_146 = arith.constant 1 : i32
      %dma_start3A_147 = arith.constant 0 : i32
      %dma_start3A_148 = arith.constant 0 : i32
      %dma_start3A_149 = tpu.memref_slice %arg6[%dma_start3A_146, %dma_start3A_147, %dma_start3A_148] : memref<3x256x128xf32, #tpu.memory_space<vmem>> -> memref<1x256x128xf32, #tpu.memory_space<vmem>>
      %dma_start3A_150 = tpu.memref_squeeze %dma_start3A_149 : memref<1x256x128xf32, #tpu.memory_space<vmem>> -> memref<256x128xf32, #tpu.memory_space<vmem>>
      %dma_start3A_151 = arith.constant 0 : i32
      %dma_start3A_152 = tpu.memref_slice %arg4[%add3A_145, %dma_start3A_151] : memref<320000x128xf32, #tpu.memory_space<hbm>> -> memref<256x128xf32, #tpu.memory_space<hbm>>
      %dma_start3A_153 = arith.constant 0 : i32
      %dma_start3A_154 = tpu.memref_slice %arg4[%add3A_145, %dma_start3A_153] : memref<320000x128xf32, #tpu.memory_space<hbm>> -> memref<256x128xf32, #tpu.memory_space<hbm>>
      %dma_start3A_155 = arith.constant 0 : i32
      %dma_start3A_156 = arith.constant 0 : i32
      %dma_start3A_157 = tpu.memref_slice %arg6[%dma_start3A_146, %dma_start3A_155, %dma_start3A_156] : memref<3x256x128xf32, #tpu.memory_space<vmem>> -> memref<1x256x128xf32, #tpu.memory_space<vmem>>
      %dma_start3A_158 = tpu.memref_squeeze %dma_start3A_157 : memref<1x256x128xf32, #tpu.memory_space<vmem>> -> memref<256x128xf32, #tpu.memory_space<vmem>>
      tpu.enqueue_dma source(%dma_start3A_158 : memref<256x128xf32, #tpu.memory_space<vmem>>) target(%dma_start3A_154 : memref<256x128xf32, #tpu.memory_space<hbm>>) target_semaphore(%arg8 : memref<!tpu.dma_semaphore, #tpu.memory_space<semaphore_mem>>)
      %dma_wait3A_159 = arith.constant 2 : i32
      %dma_wait3A_160 = arith.constant 0 : i32
      %dma_wait3A_161 = arith.constant 0 : i32
      %dma_wait3A_162 = tpu.memref_slice %arg6[%dma_wait3A_159, %dma_wait3A_160, %dma_wait3A_161] : memref<3x256x128xf32, #tpu.memory_space<vmem>> -> memref<1x256x128xf32, #tpu.memory_space<vmem>>
      %dma_wait3A_163 = tpu.memref_squeeze %dma_wait3A_162 : memref<1x256x128xf32, #tpu.memory_space<vmem>> -> memref<256x128xf32, #tpu.memory_space<vmem>>
      %dma_wait3A_164 = arith.constant 0 : i32
      %dma_wait3A_165 = arith.constant 0 : i32
      %dma_wait3A_166 = tpu.memref_slice %arg2[%dma_wait3A_164, %dma_wait3A_165] : memref<10000x128xf32, #tpu.memory_space<hbm>> -> memref<256x128xf32, #tpu.memory_space<hbm>>
      %dma_wait3A_167 = arith.constant 0 : i32
      %dma_wait3A_168 = arith.constant 0 : i32
      %dma_wait3A_169 = tpu.memref_slice %arg6[%dma_wait3A_159, %dma_wait3A_167, %dma_wait3A_168] : memref<3x256x128xf32, #tpu.memory_space<vmem>> -> memref<1x256x128xf32, #tpu.memory_space<vmem>>
      %dma_wait3A_170 = tpu.memref_squeeze %dma_wait3A_169 : memref<1x256x128xf32, #tpu.memory_space<vmem>> -> memref<256x128xf32, #tpu.memory_space<vmem>>
      %dma_wait3A_171 = arith.constant 0 : i32
      %dma_wait3A_172 = arith.constant 0 : i32
      %dma_wait3A_173 = tpu.memref_slice %arg2[%dma_wait3A_171, %dma_wait3A_172] : memref<10000x128xf32, #tpu.memory_space<hbm>> -> memref<256x128xf32, #tpu.memory_space<hbm>>
      tpu.wait_dma2 semaphore(%arg7 : memref<!tpu.dma_semaphore, #tpu.memory_space<semaphore_mem>>) src(%dma_wait3A_173 : memref<256x128xf32, #tpu.memory_space<hbm>>) dst(%dma_wait3A_170 : memref<256x128xf32, #tpu.memory_space<vmem>>)
      %dma_wait3A_174 = arith.constant 1 : i32
      %dma_wait3A_175 = arith.constant 0 : i32
      %dma_wait3A_176 = arith.constant 0 : i32
      %dma_wait3A_177 = tpu.memref_slice %arg6[%dma_wait3A_174, %dma_wait3A_175, %dma_wait3A_176] : memref<3x256x128xf32, #tpu.memory_space<vmem>> -> memref<1x256x128xf32, #tpu.memory_space<vmem>>
      %dma_wait3A_178 = tpu.memref_squeeze %dma_wait3A_177 : memref<1x256x128xf32, #tpu.memory_space<vmem>> -> memref<256x128xf32, #tpu.memory_space<vmem>>
      %dma_wait3A_179 = arith.constant 0 : i32
      %dma_wait3A_180 = arith.constant 0 : i32
      %dma_wait3A_181 = tpu.memref_slice %arg4[%dma_wait3A_179, %dma_wait3A_180] : memref<320000x128xf32, #tpu.memory_space<hbm>> -> memref<256x128xf32, #tpu.memory_space<hbm>>
      %dma_wait3A_182 = arith.constant 0 : i32
      %dma_wait3A_183 = arith.constant 0 : i32
      %dma_wait3A_184 = tpu.memref_slice %arg4[%dma_wait3A_182, %dma_wait3A_183] : memref<320000x128xf32, #tpu.memory_space<hbm>> -> memref<256x128xf32, #tpu.memory_space<hbm>>
      %dma_wait3A_185 = arith.constant 0 : i32
      %dma_wait3A_186 = arith.constant 0 : i32
      %dma_wait3A_187 = tpu.memref_slice %arg6[%dma_wait3A_174, %dma_wait3A_185, %dma_wait3A_186] : memref<3x256x128xf32, #tpu.memory_space<vmem>> -> memref<1x256x128xf32, #tpu.memory_space<vmem>>
      %dma_wait3A_188 = tpu.memref_squeeze %dma_wait3A_187 : memref<1x256x128xf32, #tpu.memory_space<vmem>> -> memref<256x128xf32, #tpu.memory_space<vmem>>
      tpu.wait_dma2 semaphore(%arg8 : memref<!tpu.dma_semaphore, #tpu.memory_space<semaphore_mem>>) src(%dma_wait3A_188 : memref<256x128xf32, #tpu.memory_space<vmem>>) dst(%dma_wait3A_184 : memref<256x128xf32, #tpu.memory_space<hbm>>)
      %lt3A_189 = arith.constant 12 : i32
      %lt3A_190 = arith.cmpi slt, %scan3A_52, %lt3A_189 : i32
      %convert_element_type3A_191 = arith.extui %lt3A_190 : i1 to i32
      %cond3A_192 = arith.constant 0 : i32
      %cond3A_193 = arith.cmpi ne, %convert_element_type3A_191, %cond3A_192 : i32
      scf.if %cond3A_193 {
        %add3A_212 = arith.constant 3 : i32
        %add3A_213 = arith.addi %mul3A_54, %add3A_212 : i32
        %sub3A_214 = arith.constant 1 : i32
        %sub3A_215 = arith.subi %add3A_213, %sub3A_214 : i32
        %add3A_216 = arith.constant 2 : i32
        %add3A_217 = arith.addi %sub3A_215, %add3A_216 : i32
        %mul3A_218 = arith.constant 256 : i32
        %mul3A_219 = arith.muli %add3A_217, %mul3A_218 : i32
        %dma_start3A_220 = arith.constant 1 : i32
        %dma_start3A_221 = arith.constant 0 : i32
        %dma_start3A_222 = arith.constant 0 : i32
        %dma_start3A_223 = tpu.memref_slice %arg6[%dma_start3A_220, %dma_start3A_221, %dma_start3A_222] : memref<3x256x128xf32, #tpu.memory_space<vmem>> -> memref<1x256x128xf32, #tpu.memory_space<vmem>>
        %dma_start3A_224 = tpu.memref_squeeze %dma_start3A_223 : memref<1x256x128xf32, #tpu.memory_space<vmem>> -> memref<256x128xf32, #tpu.memory_space<vmem>>
        %dma_start3A_225 = tpu.memref_slice %arg5[%mul3A_219] : memref<10112xi32, #tpu.memory_space<vmem>> -> memref<256xi32, #tpu.memory_space<vmem>>
        %dma_start3A_226 = arith.constant 0 : i32
        %dma_start3A_227 = arith.constant 0 : i32
        %dma_start3A_228 = tpu.memref_slice %arg2[%dma_start3A_226, %dma_start3A_227] : memref<10000x128xf32, #tpu.memory_space<hbm>> -> memref<10000x128xf32, #tpu.memory_space<hbm>>
        tpu.enqueue_indirect_dma source(%dma_start3A_228 : memref<10000x128xf32, #tpu.memory_space<hbm>>) target(%dma_start3A_224 : memref<256x128xf32, #tpu.memory_space<vmem>>) offsets(%dma_start3A_225 : memref<256xi32, #tpu.memory_space<vmem>>) semaphore(%arg7 : memref<!tpu.dma_semaphore, #tpu.memory_space<semaphore_mem>>)
      } else {
      }
      %add3A_194 = arith.constant 2 : i32
      %add3A_195 = arith.addi %mul3A_54, %add3A_194 : i32
      %mul3A_196 = arith.constant 256 : i32
      %mul3A_197 = arith.muli %add3A_195, %mul3A_196 : i32
      %add3A_198 = arith.addi %mul3A_6, %mul3A_197 : i32
      %dma_start3A_199 = arith.constant 2 : i32
      %dma_start3A_200 = arith.constant 0 : i32
      %dma_start3A_201 = arith.constant 0 : i32
      %dma_start3A_202 = tpu.memref_slice %arg6[%dma_start3A_199, %dma_start3A_200, %dma_start3A_201] : memref<3x256x128xf32, #tpu.memory_space<vmem>> -> memref<1x256x128xf32, #tpu.memory_space<vmem>>
      %dma_start3A_203 = tpu.memref_squeeze %dma_start3A_202 : memref<1x256x128xf32, #tpu.memory_space<vmem>> -> memref<256x128xf32, #tpu.memory_space<vmem>>
      %dma_start3A_204 = arith.constant 0 : i32
      %dma_start3A_205 = tpu.memref_slice %arg4[%add3A_198, %dma_start3A_204] : memref<320000x128xf32, #tpu.memory_space<hbm>> -> memref<256x128xf32, #tpu.memory_space<hbm>>
      %dma_start3A_206 = arith.constant 0 : i32
      %dma_start3A_207 = tpu.memref_slice %arg4[%add3A_198, %dma_start3A_206] : memref<320000x128xf32, #tpu.memory_space<hbm>> -> memref<256x128xf32, #tpu.memory_space<hbm>>
      %dma_start3A_208 = arith.constant 0 : i32
      %dma_start3A_209 = arith.constant 0 : i32
      %dma_start3A_210 = tpu.memref_slice %arg6[%dma_start3A_199, %dma_start3A_208, %dma_start3A_209] : memref<3x256x128xf32, #tpu.memory_space<vmem>> -> memref<1x256x128xf32, #tpu.memory_space<vmem>>
      %dma_start3A_211 = tpu.memref_squeeze %dma_start3A_210 : memref<1x256x128xf32, #tpu.memory_space<vmem>> -> memref<256x128xf32, #tpu.memory_space<vmem>>
      tpu.enqueue_dma source(%dma_start3A_211 : memref<256x128xf32, #tpu.memory_space<vmem>>) target(%dma_start3A_207 : memref<256x128xf32, #tpu.memory_space<hbm>>) target_semaphore(%arg8 : memref<!tpu.dma_semaphore, #tpu.memory_space<semaphore_mem>>)
    }
    %scan3A_32 = arith.constant 13 : i32
    %dma_wait3A = arith.constant 2 : i32
    %dma_wait3A_33 = arith.constant 0 : i32
    %dma_wait3A_34 = arith.constant 0 : i32
    %dma_wait3A_35 = tpu.memref_slice %arg6[%dma_wait3A, %dma_wait3A_33, %dma_wait3A_34] : memref<3x256x128xf32, #tpu.memory_space<vmem>> -> memref<1x256x128xf32, #tpu.memory_space<vmem>>
    %dma_wait3A_36 = tpu.memref_squeeze %dma_wait3A_35 : memref<1x256x128xf32, #tpu.memory_space<vmem>> -> memref<256x128xf32, #tpu.memory_space<vmem>>
    %dma_wait3A_37 = arith.constant 0 : i32
    %dma_wait3A_38 = arith.constant 0 : i32
    %dma_wait3A_39 = tpu.memref_slice %arg4[%dma_wait3A_37, %dma_wait3A_38] : memref<320000x128xf32, #tpu.memory_space<hbm>> -> memref<256x128xf32, #tpu.memory_space<hbm>>
    %dma_wait3A_40 = arith.constant 0 : i32
    %dma_wait3A_41 = arith.constant 0 : i32
    %dma_wait3A_42 = tpu.memref_slice %arg4[%dma_wait3A_40, %dma_wait3A_41] : memref<320000x128xf32, #tpu.memory_space<hbm>> -> memref<256x128xf32, #tpu.memory_space<hbm>>
    %dma_wait3A_43 = arith.constant 0 : i32
    %dma_wait3A_44 = arith.constant 0 : i32
    %dma_wait3A_45 = tpu.memref_slice %arg6[%dma_wait3A, %dma_wait3A_43, %dma_wait3A_44] : memref<3x256x128xf32, #tpu.memory_space<vmem>> -> memref<1x256x128xf32, #tpu.memory_space<vmem>>
    %dma_wait3A_46 = tpu.memref_squeeze %dma_wait3A_45 : memref<1x256x128xf32, #tpu.memory_space<vmem>> -> memref<256x128xf32, #tpu.memory_space<vmem>>
    tpu.wait_dma2 semaphore(%arg8 : memref<!tpu.dma_semaphore, #tpu.memory_space<semaphore_mem>>) src(%dma_wait3A_46 : memref<256x128xf32, #tpu.memory_space<vmem>>) dst(%dma_wait3A_42 : memref<256x128xf32, #tpu.memory_space<hbm>>)
    %lt3A_47 = arith.constant 4 : i32
    %lt3A_48 = arith.cmpi slt, %add3A, %lt3A_47 : i32
    %convert_element_type3A_49 = arith.extui %lt3A_48 : i1 to i32
    %cond3A_50 = arith.constant 0 : i32
    %cond3A_51 = arith.cmpi ne, %convert_element_type3A_49, %cond3A_50 : i32
    scf.if %cond3A_51 {
      %dma_start3A_52 = arith.constant 0 : i32
      %dma_start3A_53 = arith.constant 0 : i32
      %dma_start3A_54 = arith.constant 0 : i32
      %dma_start3A_55 = tpu.memref_slice %arg6[%dma_start3A_52, %dma_start3A_53, %dma_start3A_54] : memref<3x256x128xf32, #tpu.memory_space<vmem>> -> memref<1x128x128xf32, #tpu.memory_space<vmem>>
      %dma_start3A_56 = tpu.memref_squeeze %dma_start3A_55 : memref<1x128x128xf32, #tpu.memory_space<vmem>> -> memref<128x128xf32, #tpu.memory_space<vmem>>
      %dma_start3A_57 = arith.constant 9984 : i32
      %dma_start3A_58 = tpu.memref_slice %arg5[%dma_start3A_57] : memref<10112xi32, #tpu.memory_space<vmem>> -> memref<128xi32, #tpu.memory_space<vmem>>
      %dma_start3A_59 = arith.constant 0 : i32
      %dma_start3A_60 = arith.constant 0 : i32
      %dma_start3A_61 = tpu.memref_slice %arg2[%dma_start3A_59, %dma_start3A_60] : memref<10000x128xf32, #tpu.memory_space<hbm>> -> memref<10000x128xf32, #tpu.memory_space<hbm>>
      tpu.enqueue_indirect_dma source(%dma_start3A_61 : memref<10000x128xf32, #tpu.memory_space<hbm>>) target(%dma_start3A_56 : memref<128x128xf32, #tpu.memory_space<vmem>>) offsets(%dma_start3A_58 : memref<128xi32, #tpu.memory_space<vmem>>) semaphore(%arg7 : memref<!tpu.dma_semaphore, #tpu.memory_space<semaphore_mem>>)
      %dma_wait3A_62 = arith.constant 0 : i32
      %dma_wait3A_63 = arith.constant 0 : i32
      %dma_wait3A_64 = arith.constant 0 : i32
      %dma_wait3A_65 = tpu.memref_slice %arg6[%dma_wait3A_62, %dma_wait3A_63, %dma_wait3A_64] : memref<3x256x128xf32, #tpu.memory_space<vmem>> -> memref<1x128x128xf32, #tpu.memory_space<vmem>>
      %dma_wait3A_66 = tpu.memref_squeeze %dma_wait3A_65 : memref<1x128x128xf32, #tpu.memory_space<vmem>> -> memref<128x128xf32, #tpu.memory_space<vmem>>
      %dma_wait3A_67 = arith.constant 9984 : i32
      %dma_wait3A_68 = tpu.memref_slice %arg5[%dma_wait3A_67] : memref<10112xi32, #tpu.memory_space<vmem>> -> memref<128xi32, #tpu.memory_space<vmem>>
      %dma_wait3A_69 = arith.constant 0 : i32
      %dma_wait3A_70 = arith.constant 0 : i32
      %dma_wait3A_71 = tpu.memref_slice %arg2[%dma_wait3A_69, %dma_wait3A_70] : memref<10000x128xf32, #tpu.memory_space<hbm>> -> memref<10000x128xf32, #tpu.memory_space<hbm>>
      tpu.wait_indirect_dma semaphore(%arg7 : memref<!tpu.dma_semaphore, #tpu.memory_space<semaphore_mem>>) src(%dma_wait3A_71 : memref<10000x128xf32, #tpu.memory_space<hbm>>) dst(%dma_wait3A_66 : memref<128x128xf32, #tpu.memory_space<vmem>>)
      %add3A_72 = arith.constant 9984 : i32
      %add3A_73 = arith.addi %mul3A_6, %add3A_72 : i32
      %run_scoped3A_74 = arith.constant 0 : i32
      "tpu.region"() ({
        %run_scoped3A_75 = tpu.sem_alloc : memref<!tpu.dma_semaphore, #tpu.memory_space<semaphore_mem>>
        %dma_start3A_76 = arith.constant 0 : i32
        %dma_start3A_77 = arith.constant 0 : i32
        %dma_start3A_78 = tpu.memref_slice %arg6[%run_scoped3A_74, %dma_start3A_76, %dma_start3A_77] : memref<3x256x128xf32, #tpu.memory_space<vmem>> -> memref<1x128x128xf32, #tpu.memory_space<vmem>>
        %dma_start3A_79 = tpu.memref_squeeze %dma_start3A_78 : memref<1x128x128xf32, #tpu.memory_space<vmem>> -> memref<128x128xf32, #tpu.memory_space<vmem>>
        %dma_start3A_80 = arith.constant 0 : i32
        %dma_start3A_81 = tpu.memref_slice %arg4[%add3A_73, %dma_start3A_80] : memref<320000x128xf32, #tpu.memory_space<hbm>> -> memref<128x128xf32, #tpu.memory_space<hbm>>
        %dma_start3A_82 = arith.constant 0 : i32
        %dma_start3A_83 = tpu.memref_slice %arg4[%add3A_73, %dma_start3A_82] : memref<320000x128xf32, #tpu.memory_space<hbm>> -> memref<128x128xf32, #tpu.memory_space<hbm>>
        %dma_start3A_84 = arith.constant 0 : i32
        %dma_start3A_85 = arith.constant 0 : i32
        %dma_start3A_86 = tpu.memref_slice %arg6[%run_scoped3A_74, %dma_start3A_84, %dma_start3A_85] : memref<3x256x128xf32, #tpu.memory_space<vmem>> -> memref<1x128x128xf32, #tpu.memory_space<vmem>>
        %dma_start3A_87 = tpu.memref_squeeze %dma_start3A_86 : memref<1x128x128xf32, #tpu.memory_space<vmem>> -> memref<128x128xf32, #tpu.memory_space<vmem>>
        tpu.enqueue_dma source(%dma_start3A_87 : memref<128x128xf32, #tpu.memory_space<vmem>>) target(%dma_start3A_83 : memref<128x128xf32, #tpu.memory_space<hbm>>) target_semaphore(%run_scoped3A_75 : memref<!tpu.dma_semaphore, #tpu.memory_space<semaphore_mem>>)
        %dma_wait3A_88 = arith.constant 0 : i32
        %dma_wait3A_89 = arith.constant 0 : i32
        %dma_wait3A_90 = tpu.memref_slice %arg6[%run_scoped3A_74, %dma_wait3A_88, %dma_wait3A_89] : memref<3x256x128xf32, #tpu.memory_space<vmem>> -> memref<1x128x128xf32, #tpu.memory_space<vmem>>
        %dma_wait3A_91 = tpu.memref_squeeze %dma_wait3A_90 : memref<1x128x128xf32, #tpu.memory_space<vmem>> -> memref<128x128xf32, #tpu.memory_space<vmem>>
        %dma_wait3A_92 = arith.constant 0 : i32
        %dma_wait3A_93 = tpu.memref_slice %arg4[%add3A_73, %dma_wait3A_92] : memref<320000x128xf32, #tpu.memory_space<hbm>> -> memref<128x128xf32, #tpu.memory_space<hbm>>
        %dma_wait3A_94 = arith.constant 0 : i32
        %dma_wait3A_95 = tpu.memref_slice %arg4[%add3A_73, %dma_wait3A_94] : memref<320000x128xf32, #tpu.memory_space<hbm>> -> memref<128x128xf32, #tpu.memory_space<hbm>>
        %dma_wait3A_96 = arith.constant 0 : i32
        %dma_wait3A_97 = arith.constant 0 : i32
        %dma_wait3A_98 = tpu.memref_slice %arg6[%run_scoped3A_74, %dma_wait3A_96, %dma_wait3A_97] : memref<3x256x128xf32, #tpu.memory_space<vmem>> -> memref<1x128x128xf32, #tpu.memory_space<vmem>>
        %dma_wait3A_99 = tpu.memref_squeeze %dma_wait3A_98 : memref<1x128x128xf32, #tpu.memory_space<vmem>> -> memref<128x128xf32, #tpu.memory_space<vmem>>
        tpu.wait_dma2 semaphore(%run_scoped3A_75 : memref<!tpu.dma_semaphore, #tpu.memory_space<semaphore_mem>>) src(%dma_wait3A_99 : memref<128x128xf32, #tpu.memory_space<vmem>>) dst(%dma_wait3A_95 : memref<128x128xf32, #tpu.memory_space<hbm>>)
        tpu.yield
      }) : () -> ()
    } else {
    }
    return
  }
}

</mosaic_0001>

<sc_bundles>
// kernel: kernel.3.cloned.1.call-start
scs
__scs_entry_jumppad:
0x0: {  	(pc) =	sbr.rel $0x88, $3  }
0x1: {  	(tag) =	ssettag $0x0;
	lr =	simm.s32 $0x1  }
0x2: {  	[smem:$0x3F9F] =	sst lr;
	_ =	strace $0xD0000000  }
0x3: {  	_ = 	snop  }
0x4: {  	_ = 	snop  }
0x5: {  	_ = 	snop  }
0x6: {  	_ = 	snop  }
0x7: {  	_ = 	snop  }
__scs_overlays_trampoline_lowered:
0x8: {  	[smem:$0x3FAE] =	sst s0  }
0x9: {  	[smem:$0x3FAF] =	sst s1  }
0xa: {  	[smem:$0x3FB0] =	sst s2  }
0xb: {  	[smem:$0x3FB1] =	sst s3  }
0xc: {  	[smem:$0x3FB2] =	sst s4  }
0xd: {  	[smem:$0x3FB3] =	sst s5  }
0xe: {  	[smem:$0x3FB4] =	sst s6  }
0xf: {  	[smem:$0x3FB5] =	sst s7  }
0x10: {  	[smem:$0x3FB6] =	sst s8  }
0x11: {  	[smem:$0x3FB7] =	sst s9;
	s0 =	simm.s32 @!p0 $0x0  }
0x12: {  	s1 =	sld [smem:$0x3F9D];
	s0 =	simm.s32 @p0 $0x1  }
0x13: {  	[smem:$0x3FB8] =	sst s0;
	s0 =	simm.s32 @!p1 $0x0  }
0x14: {  	s2 =	sld [smem:$0x3F9C];
	s0 =	simm.s32 @p1 $0x1  }
0x15: {  	[smem:$0x3FB9] =	sst s0;
	s0 =	simm.s32 @!p2 $0x0  }
0x16: {  	s3 =	sld [smem:$0x3FDB];
	s0 =	simm.s32 @p2 $0x1  }
0x17: {  	s4 =	simm.s32 $0x1BF5;
	[smem:$0x3FBB] =	sst s0  }
0x18: {  	s0 =	sld [smem:$0x3F9E];
	_ =	swait.ge [sflag:s4], $0x0  }
0x19: {  	s7 =	sld [smem:$0x3F9F]  }
0x1a: {  	s8 =	sadd.s32 $0xFFFFE003, lr  }
0x1b: {  	s9 =	sadd.s32 $0xFFFFFEF7, lr;
	s5 =	simm.s32 $0xFFFFFFFF;
	p2 =	slt.u32 s8, $0xFFFFF086  }
0x1c: {  	p1 =	slt.u32 s9, $0xF7A;
	s5 =	simm.s32 @!p2 $0x0  }
0x1d: {  	s5 =	simm.s32 @p1 $0x1;
	p0 =	seq.s32 s7, s2  }
0x1e: {  	s7 =	smul.u32 @!p0 $0xF7A, s2;
	p2 =	seq.s32 @!p0 s5, $0x0  }
0x1f: {  	s9 =	smul.u32 $0xF7A, s1;
	s8 =	simm.s32 @!p0 $0x1BF5;
	p2 =	por !p2, p0  }
0x20: {  	[sflag:s8] =	ssyncset.s32 @!p0 $0xFFFFF086;
	s6 =	sadd.s32 @!p0 s3, s7;
	s7 =	simm.s32 @!p0 $0x108  }
0x21: {  	s3 =	sadd.s32 s3, s9;
	s6 =	sadd.s32 @!p0 $0x88, s6;
	s7 =	simm.s32 @p2 $0x1082  }
0x22: {  	[simem:s7], [sflag:s8] =	dma.local @!p0 [hbm:s6], $0xF7A  }
0x23: {  	s9 =	sor.u32 $0xD0000000, s2;
	s6 =	simm.s32 $0x108;
	_ =	swait.ge @!p0 [sflag:s8], $0x0  }
0x24: {  	s3 =	sadd.s32 $0x88, s3;
	s6 =	simm.s32 @!p1 $0x1082;
	[sflag:s4] =	ssyncset.s32 $0xFFFFF086  }
0x25: {  	[simem:s6], [sflag:s4] =	dma.local [hbm:s3], $0xF7A  }
0x26: {  	[smem:$0x3F9F] =	sst s1;
	(tag) =	ssettag s2;
	_ =	strace s9  }
0x27: {  	s1 =	sld [smem:$0x3FAF]  }
0x28: {  	s2 =	sld [smem:$0x3FB0]  }
0x29: {  	s4 =	sld [smem:$0x3FB2]  }
0x2a: {  	p0 =	seq.s32 s5, $0x0;
	s5 =	sld [smem:$0x3FB3]  }
0x2b: {  	s6 =	sld [smem:$0x3FB4]  }
0x2c: {  	s7 =	sld [smem:$0x3FB5]  }
0x2d: {  	s3 =	simm.s32 $0x108;
	s8 =	sld [smem:$0x3FB6]  }
0x2e: {  	s3 =	simm.s32 @!p0 $0x1082;
	s9 =	sld [smem:$0x3FB7]  }
0x2f: {  	lr =	sadd.s32 s0, s3;
	s0 =	sld [smem:$0x3FAE]  }
0x30: {  	s3 =	sld [smem:$0x3FB1]  }
0x31: {  	[smem:$0x3FBA] =	sst s10  }
0x32: {  	s10 =	sld [smem:$0x3FB8];
	_ =	sdelay $0x3  }
0x33: {  	p0 =	seq.s32 s10, $0x1;
	s10 =	sld [smem:$0x3FBA];
	_ =	sdelay $0x3  }
0x34: {  	[smem:$0x3FBA] =	sst s10  }
0x35: {  	s10 =	sld [smem:$0x3FB9];
	_ =	sdelay $0x3  }
0x36: {  	p1 =	seq.s32 s10, $0x1;
	s10 =	sld [smem:$0x3FBA];
	_ =	sdelay $0x3  }
0x37: {  	[smem:$0x3FBA] =	sst s10  }
0x38: {  	s10 =	sld [smem:$0x3FBB]  }
0x39: {  	_ = 	snop;
	(pc) =	sbr.ind lr, $3  }
0x3a: {  	_ = 	snop  }
0x3b: {  	_ = 	snop  }
0x3c: {  	p2 =	seq.s32 s10, $0x1;
	s10 =	sld [smem:$0x3FBA]  }
0x3d: {  	_ =	shalt  }
0x3e: {  	_ =	shalt  }
0x3f: {  	_ =	shalt  }
0x40: {  	_ =	shalt  }
0x41: {  	_ =	shalt  }
0x42: {  	_ =	shalt  }
0x43: {  	_ =	shalt  }
0x44: {  	_ =	shalt  }
0x45: {  	_ =	shalt  }
0x46: {  	_ =	shalt  }
0x47: {  	_ =	shalt  }
0x48: {  	_ =	shalt  }
0x49: {  	_ =	shalt  }
0x4a: {  	_ =	shalt  }
0x4b: {  	_ =	shalt  }
0x4c: {  	_ =	shalt  }
0x4d: {  	_ =	shalt  }
0x4e: {  	_ =	shalt  }
0x4f: {  	_ =	shalt  }
0x50: {  	_ =	shalt  }
0x51: {  	_ =	shalt  }
0x52: {  	_ =	shalt  }
0x53: {  	_ =	shalt  }
0x54: {  	_ =	shalt  }
0x55: {  	_ =	shalt  }
0x56: {  	_ =	shalt  }
0x57: {  	_ =	shalt  }
0x58: {  	_ =	shalt  }
0x59: {  	_ =	shalt  }
0x5a: {  	_ =	shalt  }
0x5b: {  	_ =	shalt  }
0x5c: {  	_ =	shalt  }
0x5d: {  	_ =	shalt  }
0x5e: {  	_ =	shalt  }
0x5f: {  	_ =	shalt  }
0x60: {  	_ =	shalt  }
0x61: {  	_ =	shalt  }
0x62: {  	_ =	shalt  }
0x63: {  	_ =	shalt  }
0x64: {  	_ =	shalt  }
0x65: {  	_ =	shalt  }
0x66: {  	_ =	shalt  }
0x67: {  	_ =	shalt  }
0x68: {  	_ =	shalt  }
0x69: {  	_ =	shalt  }
0x6a: {  	_ =	shalt  }
0x6b: {  	_ =	shalt  }
0x6c: {  	_ =	shalt  }
0x6d: {  	_ =	shalt  }
0x6e: {  	_ =	shalt  }
0x6f: {  	_ =	shalt  }
0x70: {  	_ =	shalt  }
0x71: {  	_ =	shalt  }
0x72: {  	_ =	shalt  }
0x73: {  	_ =	shalt  }
0x74: {  	_ =	shalt  }
0x75: {  	_ =	shalt  }
0x76: {  	_ =	shalt  }
0x77: {  	_ =	shalt  }
0x78: {  	_ =	shalt  }
0x79: {  	_ =	shalt  }
0x7a: {  	_ =	shalt  }
0x7b: {  	_ =	shalt  }
0x7c: {  	_ =	shalt  }
0x7d: {  	_ =	shalt  }
0x7e: {  	_ =	shalt  }
0x7f: {  	_ =	shalt  }
0x80: {  	_ =	shalt  }
0x81: {  	_ =	shalt  }
0x82: {  	_ =	shalt  }
0x83: {  	_ =	shalt  }
0x84: {  	_ =	shalt  }
0x85: {  	_ =	shalt  }
0x86: {  	_ =	shalt  }
0x87: {  	_ =	shalt  }
.Lfunc_end0:
.L_simem_size_0:
called_computation_lowered:
.L_overlay_start_0:
0x88: {  	s2 =	sld [smem:$0x3FD9]  }
0x89: {  	s3 =	sld [smem:$0x3FFE];
	_ =	sdelay $0x1  }
0x8a: {  	s1 =	srdreg.scid  }
0x8b: {  	s0 =	sand.u32 $0x1, s1  }
0x8c: {  	s15 =	sshll.u32 s0, $0xA;
	s2 =	sadd.s32 s3, s2  }
0x8d: {  	s2 =	sadd.s32 s2, s15  }
0x8e: {  	[smem:$0x3FC6] =	sst s2  }
0x8f: {  	_ = 	snop  }
0x90: {  	s2 =	sld [smem:$0x3FD0];
	_ =	sdelay $0x1  }
0x91: {  	s16 =	sld [smem:$0x3FC9]  }
0x92: {  	s5 =	simm.s32 $0xA;
	s6 =	simm.s32 $0x10;
	s4 =	sld [smem:$0x3FC8]  }
0x93: {  	[smem:s6], [sflag:s5] =	dma.local [hbm:s2], $0x1  }
0x94: {  	_ =	swait.eq [sflag:s5], $0x1  }
0x95: {  	[sflag:s5] =	ssyncset.done $0x0  }
0x96: {  	[sflag:s5] =	ssyncadd.s32 $0xFFFFFFFF  }
0x97: {  	s17 =	sld [smem:$0x12];
	(tm) =	ssettm $0x1  }
0x98: {  	s18 =	sld [smem:$0x3FFB];
	_ =	sdelay $0x3  }
0x99: {  	_ =	strace s18  }
0x9a: {  	s5 =	sld [smem:$0x3FFC];
	_ =	sdelay $0x3  }
0x9b: {  	_ =	strace s5  }
0x9c: {  	s5 =	sld [smem:$0x3FFD];
	_ =	sdelay $0x3  }
0x9d: {  	_ =	strace s5  }
0x9e: {  	_ =	strace $0x8FFFFFFF  }
0x9f: {  	s19 =	sld [smem:$0x3FDB];
	_ =	sdelay $0x1  }
0xa0: {  	s20 =	simm.s32 $_scs_section_size  }
0xa1: {  	s7 =	simm.s32 $_size__tile_overlayer_lowered;
	s8 =	simm.s32 $_tile_overlayer_lowered  }
0xa2: {  	s23 =	simm.s32 $0x1BFF;
	s22 =	sshll.u32 s8, $0x1;
	s5 =	sadd.s32 s20, s19  }
0xa3: {  	s9 =	simm.s32 $0x0;
	s21 =	sshll.u32 s7, $0x1;
	s7 =	sadd.s32 s22, s5  }
0xa4: {  	[timem:s9], [sflag:s23] =	dma.local [hbm:s7], s21  }
0xa5: {  	_ =	swait.ge [sflag:s23], s21  }
0xa6: {  	s6 =	ssub.s32 $0x0, s21;
	[sflag:s23] =	ssyncset.done $0x0  }
0xa7: {  	[sflag:s23] =	ssyncadd.s32 s6;
	_ =	sdelay $0x1  }
0xa8: {  	s24 =	simm.s32 $0x1B8B  }
0xa9: {  	_ =	swait.ge [sflag:s24], $0x1  }
0xaa: {  	[sflag:s24] =	ssyncset.done $0x0  }
0xab: {  	s25 =	simm.s32 $0x1B8E;
	[sflag:s24] =	ssyncadd.s32 $0xFFFFFFFF  }
0xac: {  	s26 =	simm.s32 $execute0_lowered;
	[smem:$0x3FD2] =	sst s25  }
0xad: {  	s6 =	sshll.u32 s26, $0x1;
	_ =	strace $0x80000046;
	[dreg:$0x1] =	wrdreg $0xFFFFFFFF  }
0xae: {  	s28 =	simm.s32 $_size_execute0_lowered;
	s5 =	sadd.s32 s5, s6;
	[dreg:$0x0] =	wrdreg $0x0  }
0xaf: {  	s6 =	sshll.u32 s28, $0x1;
	[dreg:$0x2] =	wrdreg s5  }
0xb0: {  	[dreg:$0x3] =	wrdreg s6  }
0xb1: {  	[dreg:$0x4] =	wrdreg $0xC0  }
0xb2: {  	_ =	task [dreg:s9], $0x5FFFF  }
0xb3: {  	[dreg:$0x1] =	wrdreg $0xFFFFFFFF  }
0xb4: {  	[dreg:$0x0] =	wrdreg $0x60  }
0xb5: {  	[dreg:$0x2] =	wrdreg s16  }
0xb6: {  	[dreg:$0x3] =	wrdreg s4  }
0xb7: {  	[dreg:$0x4] =	wrdreg s17  }
0xb8: {  	[dreg:$0x5] =	wrdreg $0x9  }
0xb9: {  	_ =	task.clear_ibuf [dreg:s9], $0x6FFFF;
	_ =	strace $0x90000046  }
0xba: {  	s29 =	simm.s32 $0x9;
	_ =	strace $0x80000048  }
0xbb: {  	_ =	swait.ge [sflag:s29], $0x1  }
0xbc: {  	[sflag:s29] =	ssyncadd.s32 $0xFFFFFFFF  }
0xbd: {  	_ =	strace $0x90000048  }
0xbe: {  	_ =	sfence  }
0xbf: {  	s30 =	sld [smem:$0x0];
	_ =	sdelay $0x2  }
0xc0: {  	s31 =	sshll.u32 s1, $0xD;
	s1 =	sshrl.u32 s1, $0x2  }
0xc1: {  	s3 =	sand.u32 $0x4000, s31;
	s1 =	sadd.s32 s1, s30  }
0xc2: {  	s0 =	sor.u32 s3, s0;
	s1 =	sshll.u32 s1, $0x11  }
0xc3: {  	s0 =	sor.u32 s1, s0  }
0xc4: {  	s0 =	sadd.s32 $0x8F2B, s0  }
0xc5: {  	[sflag:s0] =	ssyncadd.remote.s32 $0x1  }
0xc6: {  	_ =	sfence.sel $0xFFFF  }
0xc7: {  	[dreg:$0x0] =	wrdreg $0xFFFFFFFF;
	(pc) =	sbr.abs _section_cstart, $3  }
0xc8: {  	[dreg:$0x1] =	wrdreg $0xFFFFFFFF  }
0xc9: {  	_ =	task.clear_ibuf [dreg:s9], $0x2FFFF;
	_ =	strace $0x9FFFFFFF  }
0xca: {  	(tm) =	ssettm $0x7FFFFFFF  }
0xcb: {  	_ =	shalt  }
tec
execute0_lowered:
.L_overlay_start_1:
0x0: {  	(tag) =	ssettag $0x1  }
0x1: {  	s1 =	rddreg [dreg:$0x0]  }
0x2: {  	s4 =	rddreg [dreg:$0x1];
	s2 =	srdreg.scid  }
0x3: {  	s0 =	stileid.u32;
	s14 =	rddreg [dreg:$0x2]  }
0x4: {  	s16 =	simm.s32 $0x100;
	s17 =	simm.s32 $0x3;
	s18 =	simm.s32 $0x2780  }
0x5: {  	s19 =	simm.s32 $0xA780;
	s20 =	simm.s32 $0x1;
	s21 =	simm.s32 $0x200  }
0x6: {  	s22 =	simm.s32 $0x12780;
	s23 =	simm.s32 $0x2;
	s24 =	simm.s32 $0x300  }
0x7: {  	s25 =	simm.s32 $0x400;
	s26 =	simm.s32 $0x2600;
	s28 =	simm.s32 $0x0  }
0x8: {  	s6 =	sand.u32 $0x1, s2;
	s3 =	sshll.u32 s0, $0x1;
	s31 =	smul.u32 $0x9C, s0  }
0x9: {  	p0 =	sgt.u32 s0, $0x1;
	s5 =	sor.u32 s6, s3;
	s11 =	smul.u32 $0x4E, s6  }
0xa: {  	s3 =	simm.s32 $0x0;
	s7 =	ssub.s32 $0x2, s6;
	s8 =	smul.u32 $0x4E, s5  }
0xb: {  	[smem:$0x7FF] =	sst s3;
	s9 =	sshrl.u32 s7, $0x1;
	s10 =	smin.u32 s5, $0x4  }
0xc: {  	_ =	strace $0x80000047;
	s9 =	ssub.s32 s7, s9;
	s5 =	sadd.s32 s10, s8  }
0xd: {  	s10 =	sadd.s32 s31, s10;
	s8 =	smax.u32 s9, $0x1;
	s30 =	sshll.u32 s5, $0x5  }
0xe: {  	s5 =	sshll.u32 s5, $0xB;
	s12 =	sadd.s32 s11, s10;
	s4 =	sadd.s32 s4, s30  }
0xf: {  	s5 =	sadd.s32 s14, s5;
	s15 =	sshll.u32 s12, $0xB;
	s6 =	sadd.s32 $0x9C0, s4  }
0x10: {  	s7 =	sadd.s32 $0x27000, s5;
	s9 =	sadd.s32 $0x1000, s5;
	s10 =	sadd.s32 $0x2000, s5  }
0x11: {  	s11 =	sadd.s32 $0x24000, s5;
	s12 =	sadd.s32 $0x25000, s5;
	s14 =	sadd.s32 s15, s14  }
0x12: {  	s13 =	sadd.s32 $0x26000, s5;
	s15 =	simm.s32 $0x80;
	s14 =	sadd.s32 $0x3000, s14  }
.LBB2_1:
0x13: {  	[tilespmem:s3], [sflag:$0x3] =	stream.strided.gather [hbm4b:s4+s15], $0x2700, s16, s15, $0x38;
	[tilespmem:$0x1A780] =	vst v63  }
0x14: {  	_ =	swait.ge [sflag:s17], $0x2700  }
0x15: {  	[sflag:s17] =	ssyncset.done $0x0  }
0x16: {  	s29 =	simm.s32 @!p0 $0x0;
	s30 =	simm.s32 @!p0 $0x2700;
	[sflag:s17] =	ssyncadd.s32 $0xFFFFD900  }
0x17: {  	[tilespmem:s30], [sflag:$0x3] =	stream.linear.gather @!p0 [hbm4b:s6+s29], $0x80, $0x38;
	[tilespmem:$0x1A780] =	vst v63  }
0x18: {  	s29 =	simm.s32 @!p0 $0x3  }
0x19: {  	_ =	swait.ge @!p0 [sflag:s29], $0x80  }
0x1a: {  	[sflag:s29] =	ssyncset.done @!p0 $0x0  }
0x1b: {  	[sflag:s29] =	ssyncadd.s32 @!p0 $0xFFFFFF80  }
0x1c: {  	[tilespmem:s18], [sflag:$0x1] =	stream.indirect.gather [hbm4b:s1+s16], $0x80, s3, s16, $0xb8;
	[tilespmem:$0x1A780] =	vst v63  }
0x1d: {  	_ = 	snop  }
0x1e: {  	[tilespmem:s19], [sflag:$0x1] =	stream.indirect.gather [hbm4b:s1+s16], $0x80, s16, s16, $0xb8;
	[tilespmem:$0x1A780] =	vst v63  }
0x1f: {  	_ =	swait.ge [sflag:s20], $0x8000  }
0x20: {  	[sflag:s20] =	ssyncset.done $0x0  }
0x21: {  	[sflag:s20] =	ssyncadd.s32 $0xFFFF8000  }
0x22: {  	[tilespmem:s22], [sflag:$0x1] =	stream.indirect.gather [hbm4b:s1+s16], $0x80, s21, s16, $0xb8;
	[tilespmem:$0x1A780] =	vst v63  }
0x23: {  	_ = 	snop  }
0x24: {  	[hbm4b:s5+s3] =	stream.linear.scatter [tilespmem:s18], [sflag:$0x2], $0x8000, $0x38;
	[tilespmem:$0x1A780] =	vst v63  }
0x25: {  	_ =	swait.ge [sflag:s20], $0x8000  }
0x26: {  	[sflag:s20] =	ssyncset.done $0x0  }
0x27: {  	[sflag:s20] =	ssyncadd.s32 $0xFFFF8000  }
0x28: {  	_ =	swait.ge [sflag:s23], $0x8000  }
0x29: {  	[sflag:s23] =	ssyncset.done $0x0  }
0x2a: {  	[sflag:s23] =	ssyncadd.s32 $0xFFFF8000  }
0x2b: {  	[tilespmem:s18], [sflag:$0x1] =	stream.indirect.gather [hbm4b:s1+s16], $0x80, s24, s16, $0xb8;
	[tilespmem:$0x1A780] =	vst v63  }
0x2c: {  	_ = 	snop  }
0x2d: {  	[hbm4b:s9+s3] =	stream.linear.scatter [tilespmem:s19], [sflag:$0x2], $0x8000, $0x38;
	[tilespmem:$0x1A780] =	vst v63  }
0x2e: {  	_ =	swait.ge [sflag:s20], $0x8000  }
0x2f: {  	[sflag:s20] =	ssyncset.done $0x0  }
0x30: {  	[sflag:s20] =	ssyncadd.s32 $0xFFFF8000  }
0x31: {  	_ =	swait.ge [sflag:s23], $0x8000  }
0x32: {  	[sflag:s23] =	ssyncset.done $0x0  }
0x33: {  	[sflag:s23] =	ssyncadd.s32 $0xFFFF8000  }
0x34: {  	[tilespmem:s19], [sflag:$0x1] =	stream.indirect.gather [hbm4b:s1+s16], $0x80, s25, s16, $0xb8;
	[tilespmem:$0x1A780] =	vst v63  }
0x35: {  	_ = 	snop  }
0x36: {  	[hbm4b:s10+s3] =	stream.linear.scatter [tilespmem:s22], [sflag:$0x2], $0x8000, $0x38;
	[tilespmem:$0x1A780] =	vst v63  }
0x37: {  	_ =	swait.ge [sflag:s20], $0x8000  }
0x38: {  	[sflag:s20] =	ssyncset.done $0x0  }
0x39: {  	[sflag:s20] =	ssyncadd.s32 $0xFFFF8000  }
0x3a: {  	_ =	swait.ge [sflag:s23], $0x8000  }
0x3b: {  	[sflag:s23] =	ssyncset.done $0x0  }
0x3c: {  	s29 =	simm.s32 $0x500;
	[sflag:s23] =	ssyncadd.s32 $0xFFFF8000  }
0x3d: {  	[tilespmem:s22], [sflag:$0x1] =	stream.indirect.gather [hbm4b:s1+s16], $0x80, s29, s16, $0xb8;
	[tilespmem:$0x1A780] =	vst v63  }
0x3e: {  	_ = 	snop  }
0x3f: {  	[hbm4b:s14+s3] =	stream.linear.scatter [tilespmem:s18], [sflag:$0x2], $0x8000, $0x38;
	[tilespmem:$0x1A780] =	vst v63  }
0x40: {  	_ =	swait.ge [sflag:s20], $0x8000  }
0x41: {  	[sflag:s20] =	ssyncset.done $0x0  }
0x42: {  	[sflag:s20] =	ssyncadd.s32 $0xFFFF8000  }
0x43: {  	_ =	swait.ge [sflag:s23], $0x8000  }
0x44: {  	[sflag:s23] =	ssyncset.done $0x0  }
0x45: {  	s29 =	simm.s32 $0x600;
	[sflag:s23] =	ssyncadd.s32 $0xFFFF8000  }
0x46: {  	[tilespmem:s18], [sflag:$0x1] =	stream.indirect.gather [hbm4b:s1+s16], $0x80, s29, s16, $0xb8;
	[tilespmem:$0x1A780] =	vst v63  }
0x47: {  	s29 =	sadd.s32 $0x1000, s14  }
0x48: {  	[hbm4b:s29+s3] =	stream.linear.scatter [tilespmem:s19], [sflag:$0x2], $0x8000, $0x38;
	[tilespmem:$0x1A780] =	vst v63  }
0x49: {  	_ =	swait.ge [sflag:s20], $0x8000  }
0x4a: {  	[sflag:s20] =	ssyncset.done $0x0  }
0x4b: {  	[sflag:s20] =	ssyncadd.s32 $0xFFFF8000  }
0x4c: {  	_ =	swait.ge [sflag:s23], $0x8000  }
0x4d: {  	[sflag:s23] =	ssyncset.done $0x0  }
0x4e: {  	s29 =	simm.s32 $0x700;
	[sflag:s23] =	ssyncadd.s32 $0xFFFF8000  }
0x4f: {  	[tilespmem:s19], [sflag:$0x1] =	stream.indirect.gather [hbm4b:s1+s16], $0x80, s29, s16, $0xb8;
	[tilespmem:$0x1A780] =	vst v63  }
0x50: {  	s31 =	sadd.s32 $0x2000, s14;
	s30 =	sadd.s32 $0x3000, s14;
	s29 =	simm.s32 $0xC00  }
.LBB2_2:
0x51: {  	[hbm4b:s31+s3] =	stream.linear.scatter [tilespmem:s22], [sflag:$0x2], $0x8000, $0x38;
	[tilespmem:$0x1A780] =	vst v63  }
0x52: {  	s31 =	smov.u32 s29  }
0x53: {  	p1 =	sne.s32 s29, $0x7800;
	s29 =	sadd.s32 $0xC00, s29;
	_ =	swait.ge [sflag:s20], $0x8000  }
0x54: {  	[sflag:s20] =	ssyncset.done $0x0  }
0x55: {  	[sflag:s20] =	ssyncadd.s32 $0xFFFF8000  }
0x56: {  	_ =	swait.ge [sflag:s23], $0x8000  }
0x57: {  	s31 =	sshra.s32 s31, $0x2;
	[sflag:s23] =	ssyncset.done $0x0  }
0x58: {  	s2 =	sadd.s32 $0x500, s31;
	[sflag:s23] =	ssyncadd.s32 $0xFFFF8000  }
0x59: {  	[tilespmem:s22], [sflag:$0x1] =	stream.indirect.gather [hbm4b:s1+s16], $0x80, s2, s16, $0xb8;
	[tilespmem:$0x1A780] =	vst v63  }
0x5a: {  	_ = 	snop  }
0x5b: {  	[hbm4b:s30+s3] =	stream.linear.scatter [tilespmem:s18], [sflag:$0x2], $0x8000, $0x38;
	[tilespmem:$0x1A780] =	vst v63  }
0x5c: {  	_ =	swait.ge [sflag:s20], $0x8000  }
0x5d: {  	[sflag:s20] =	ssyncset.done $0x0  }
0x5e: {  	[sflag:s20] =	ssyncadd.s32 $0xFFFF8000  }
0x5f: {  	_ =	swait.ge [sflag:s23], $0x8000  }
0x60: {  	[sflag:s23] =	ssyncset.done $0x0  }
0x61: {  	s2 =	sadd.s32 $0x600, s31;
	[sflag:s23] =	ssyncadd.s32 $0xFFFF8000  }
0x62: {  	[tilespmem:s18], [sflag:$0x1] =	stream.indirect.gather [hbm4b:s1+s16], $0x80, s2, s16, $0xb8;
	[tilespmem:$0x1A780] =	vst v63  }
0x63: {  	s2 =	sadd.s32 $0x1000, s30  }
0x64: {  	[hbm4b:s2+s3] =	stream.linear.scatter [tilespmem:s19], [sflag:$0x2], $0x8000, $0x38;
	[tilespmem:$0x1A780] =	vst v63  }
0x65: {  	_ =	swait.ge [sflag:s20], $0x8000  }
0x66: {  	[sflag:s20] =	ssyncset.done $0x0  }
0x67: {  	[sflag:s20] =	ssyncadd.s32 $0xFFFF8000  }
.Ltmp0:
0x68: {  	_ =	swait.ge [sflag:s23], $0x8000;
	(pc) =	sbr.rel @p1 .LBB2_2-.Ltmp0, $4  }
0x69: {  	[sflag:s23] =	ssyncset.done $0x0  }
0x6a: {  	s2 =	sadd.s32 $0x700, s31;
	[sflag:s23] =	ssyncadd.s32 $0xFFFF8000  }
0x6b: {  	[tilespmem:s19], [sflag:$0x1] =	stream.indirect.gather [hbm4b:s1+s16], $0x80, s2, s16, $0xb8;
	[tilespmem:$0x1A780] =	vst v63  }
0x6c: {  	s31 =	sadd.s32 $0x2000, s30;
	s30 =	sadd.s32 $0x3000, s30  }
0x6d: {  	[hbm4b:s31+s3] =	stream.linear.scatter [tilespmem:s22], [sflag:$0x2], $0x8000, $0x38;
	[tilespmem:$0x1A780] =	vst v63  }
0x6e: {  	_ =	swait.ge [sflag:s20], $0x8000  }
0x6f: {  	[sflag:s20] =	ssyncset.done $0x0  }
0x70: {  	[sflag:s20] =	ssyncadd.s32 $0xFFFF8000  }
0x71: {  	_ =	swait.ge [sflag:s23], $0x8000  }
0x72: {  	[sflag:s23] =	ssyncset.done $0x0  }
0x73: {  	[sflag:s23] =	ssyncadd.s32 $0xFFFF8000  }
0x74: {  	[tilespmem:s22], [sflag:$0x1] =	stream.indirect.gather [hbm4b:s1+s16], $0x80, s26, s16, $0xb8;
	[tilespmem:$0x1A780] =	vst v63  }
0x75: {  	_ = 	snop  }
0x76: {  	[hbm4b:s11+s3] =	stream.linear.scatter [tilespmem:s18], [sflag:$0x2], $0x8000, $0x38;
	[tilespmem:$0x1A780] =	vst v63  }
0x77: {  	_ =	swait.ge [sflag:s20], $0x8000  }
0x78: {  	[sflag:s20] =	ssyncset.done $0x0  }
0x79: {  	[sflag:s20] =	ssyncadd.s32 $0xFFFF8000  }
0x7a: {  	_ =	swait.ge [sflag:s23], $0x8000  }
0x7b: {  	[sflag:s23] =	ssyncset.done $0x0  }
0x7c: {  	[sflag:s23] =	ssyncadd.s32 $0xFFFF8000  }
0x7d: {  	[hbm4b:s12+s3] =	stream.linear.scatter [tilespmem:s19], [sflag:$0x2], $0x8000, $0x38;
	[tilespmem:$0x1A780] =	vst v63  }
0x7e: {  	_ =	swait.ge [sflag:s20], $0x8000  }
0x7f: {  	[sflag:s20] =	ssyncset.done $0x0  }
0x80: {  	[sflag:s20] =	ssyncadd.s32 $0xFFFF8000  }
0x81: {  	_ =	swait.ge [sflag:s23], $0x8000  }
0x82: {  	[sflag:s23] =	ssyncset.done $0x0  }
0x83: {  	[sflag:s23] =	ssyncadd.s32 $0xFFFF8000  }
0x84: {  	[hbm4b:s13+s3] =	stream.linear.scatter [tilespmem:s22], [sflag:$0x2], $0x8000, $0x38;
	[tilespmem:$0x1A780] =	vst v63  }
0x85: {  	_ =	swait.ge [sflag:s23], $0x8000  }
0x86: {  	s2 =	simm.s32 @!p0 $0x80;
	[sflag:s23] =	ssyncset.done $0x0  }
0x87: {  	s29 =	simm.s32 @!p0 $0x2700;
	s30 =	simm.s32 @!p0 $0x2780;
	[sflag:s23] =	ssyncadd.s32 $0xFFFF8000  }
0x88: {  	[tilespmem:s30], [sflag:$0x1] =	stream.indirect.gather @!p0 [hbm4b:s1+s2], $0x80, s29, s2, $0xb8;
	[tilespmem:$0x1A780] =	vst v63  }
0x89: {  	s2 =	simm.s32 @!p0 $0x1  }
0x8a: {  	_ =	swait.ge @!p0 [sflag:s2], $0x4000  }
0x8b: {  	s28 =	sadd.s32 $0x1, s28;
	[sflag:s2] =	ssyncset.done @!p0 $0x0  }
0x8c: {  	p1 =	sne.s32 s28, s8;
	[sflag:s2] =	ssyncadd.s32 @!p0 $0xFFFFC000;
	s2 =	simm.s32 @!p0 $0x0  }
0x8d: {  	[hbm4b:s7+s2] =	stream.linear.scatter @!p0 [tilespmem:s30], [sflag:$0x3], $0x4000, $0x38;
	[tilespmem:$0x1A780] =	vst v63  }
.Ltmp1:
0x8e: {  	_ = 	snop;
	(pc) =	sbr.rel @p1 .LBB2_1-.Ltmp1, $4  }
0x8f: {  	s2 =	simm.s32 @!p0 $0x3  }
0x90: {  	_ =	swait.ge @!p0 [sflag:s2], $0x4000  }
0x91: {  	[sflag:s2] =	ssyncset.done @!p0 $0x0  }
0x92: {  	[sflag:s2] =	ssyncadd.s32 @!p0 $0xFFFFC000  }
0x93: {  	_ =	sfence.sel $0x180000  }
0x94: {  	[bflag:$0x0] =	sbarrier.arrive $0xFFFF  }
0x95: {  	_ =	strace $0x90000047  }
0x96: {  	[bflag:$0x2] =	sbarrier.arrive $0xFFFF  }
0x97: {  	p0 =	sne.s32 s0, $0x0;
	s0 =	rddreg [dreg:$0x3]  }
0x98: {  	s0 =	sadd.s32 @!p0 $0x100000, s0  }
0x99: {  	[sflag:s0] =	ssyncadd.tile.s32 @!p0 $0x1;
	_ =	shalt  }
.Lfunc_end2:
_tile_overlayer_lowered:
.L_overlay_start_2:
0x9a: {  	(tag) =	ssettag $0x2  }
0x9b: {  	s0 =	rddreg [dreg:$0x0];
	s2 =	stileid.u32  }
0x9c: {  	s1 =	rddreg [dreg:$0x1];
	p0 =	sne.s32 s2, $0x0  }
0x9d: {  	s3 =	rddreg [dreg:$0x2];
	[bflag:$0x3] =	sbarrier.arrive $0xFFFF;
	s2 =	simm.s32 @!p0 $0x1C03  }
0x9e: {  	[timem:s3], [sflag:s2] =	dma.local @!p0 [hbm:s0], s1  }
0x9f: {  	s0 =	simm.s32 @!p0 $0x3  }
0xa0: {  	_ =	swait.ge @!p0 [sflag:s0], s1  }
0xa1: {  	s1 =	ssub.s32 @!p0 $0x0, s1;
	[sflag:s0] =	ssyncset.done @!p0 $0x0  }
0xa2: {  	[sflag:s0] =	ssyncadd.s32 @!p0 s1  }
0xa3: {  	[bflag:$0x3] =	sbarrier.arrive $0xFFFF  }
0xa4: {  	_ =	shalt  }

</sc_bundles>
